<compile_context>
chip_gen: v7x
topology: tpu7x:2x2x1
jax: 0.10.2.dev20260603
libtpu: 0.0.44.dev20260713+nightly
codegen_flags: <defaults>
</compile_context>

<pallas_src>
import functools

import jax
import jax.numpy as jnp
from jax import lax
from jax.experimental import pallas as pl
from jax.experimental.pallas import tpu as pltpu
from jax.experimental.pallas import tpu_sc as plsc

_NUM_TIMESTEPS = 1000
_TABLE_LEN = _NUM_TIMESTEPS + 1
_BATCH = 16384
_NC = 1
_NS = 16
_L = 16
_NW = _NC * _NS
_B_PER_W = _BATCH // _NW

_mesh = plsc.VectorSubcoreMesh(
    core_axis_name="c", subcore_axis_name="s", num_cores=_NC)


@functools.partial(
    pl.kernel,
    mesh=_mesh,
    out_type=jax.ShapeDtypeStruct((_BATCH,), jnp.float32),
    scratch_types=[
        pltpu.VMEM((_TABLE_LEN,), jnp.float32),
        pltpu.VMEM((_B_PER_W,), jnp.int32),
        pltpu.VMEM((_B_PER_W,), jnp.float32),
        pltpu.SemaphoreType.DMA,
        pltpu.SemaphoreType.DMA,
        pltpu.SemaphoreType.DMA,
    ],
    compiler_params=pltpu.CompilerParams(needs_layout_passes=False),
)
def _alpha_bar_gather(t_hbm, table_hbm, out_hbm, table_v, idx_v, res_v,
                      tsem, isem, osem):
    wid = lax.axis_index("s") * _NC + lax.axis_index("c")
    base = wid * _B_PER_W
    half = _B_PER_W // 2
    tcopy = pltpu.async_copy(table_hbm, table_v, tsem)
    icopy = pltpu.async_copy(t_hbm.at[pl.ds(base, _B_PER_W)], idx_v, isem)
    tcopy.wait()
    icopy.wait()

    @pl.loop(0, half // _L, unroll=4)
    def _first(i):
        off = i * _L
        idx = idx_v[pl.ds(off, _L)]
        idx = jnp.minimum(jnp.maximum(idx, 0), _NUM_TIMESTEPS - 1)
        res_v[pl.ds(off, _L)] = plsc.load_gather(table_v, [idx])

    ocopy0 = pltpu.async_copy(
        res_v.at[pl.ds(0, half)], out_hbm.at[pl.ds(base, half)], osem)

    @pl.loop(half // _L, _B_PER_W // _L, unroll=4)
    def _second(i):
        off = i * _L
        idx = idx_v[pl.ds(off, _L)]
        idx = jnp.minimum(jnp.maximum(idx, 0), _NUM_TIMESTEPS - 1)
        res_v[pl.ds(off, _L)] = plsc.load_gather(table_v, [idx])

    ocopy1 = pltpu.async_copy(
        res_v.at[pl.ds(half, half)], out_hbm.at[pl.ds(base + half, half)], osem)
    ocopy0.wait()
    ocopy1.wait()


def kernel(t, alphas_cumprod):
    return _alpha_bar_gather(t.astype(jnp.int32), alphas_cumprod)

# --- scband reference (transcript-rebuilt; emitter-appended) ---
"""Pipeline reference for scband-cosine-noise-schedule-41197326303608 (READ-ONLY COPY).

The authoritative reference and input builder live on the scoring server;
editing this copy changes nothing except your own understanding.
"""

import jax, jax.numpy as jnp
import numpy as np
import math

NUM_TIMESTEPS = 1000
S = 0.008
MIN_ALPHA_BAR = 0.001
BATCH = 16384


def _build_alphas_cumprod():
    steps = NUM_TIMESTEPS + 1
    t_grid = jnp.linspace(0.0, float(NUM_TIMESTEPS), steps)
    alphas_cumprod = jnp.cos((t_grid / NUM_TIMESTEPS + S) / (1 + S) * math.pi * 0.5) ** 2
    alphas_cumprod = alphas_cumprod / alphas_cumprod[0]
    alphas_cumprod = alphas_cumprod * (1 - MIN_ALPHA_BAR) + MIN_ALPHA_BAR
    return alphas_cumprod.astype(jnp.float32)


def setup_inputs(seed: int = 0) -> dict:
    key = jax.random.key(seed)
    t = jax.random.randint(key, (BATCH,), 0, NUM_TIMESTEPS)
    alphas_cumprod = _build_alphas_cumprod()
    return {"t": t, "alphas_cumprod": alphas_cumprod}


def reference(t, alphas_cumprod):
    # forward == get_alpha_bar(t): clamp then gather from the cumulative-product buffer
    t_clamped = jnp.clip(t, 0, NUM_TIMESTEPS - 1)
    alpha_bar_t = jnp.take(alphas_cumprod, t_clamped, axis=0)
    return alpha_bar_t

if __name__ == "__main__":
    import jax
    _d = setup_inputs()
    print(jax.jit(kernel)(*tuple(_d.values())))

</pallas_src>

<mosaic_0001>
#map = affine_map<(d0, d1) -> (0)>
module attributes {stable_mosaic.version = 14 : i64} {
  func.func @_alpha_bar_gather(%arg0: i32, %arg1: i32, %arg2: memref<16384xi32, #tpu.memory_space<hbm>>, %arg3: memref<1001xf32, #tpu.memory_space<hbm>>, %arg4: memref<16384xf32, #tpu.memory_space<hbm>>, %arg5: memref<1001xf32, #tpu.memory_space<vmem>>, %arg6: memref<1024xi32, #tpu.memory_space<vmem>>, %arg7: memref<1024xf32, #tpu.memory_space<vmem>>, %arg8: memref<!tpu.dma_semaphore, #tpu.memory_space<semaphore_mem>>, %arg9: memref<!tpu.dma_semaphore, #tpu.memory_space<semaphore_mem>>, %arg10: memref<!tpu.dma_semaphore, #tpu.memory_space<semaphore_mem>>) attributes {dimension_semantics = [#tpu.dimension_semantics<core_parallel>, #tpu.dimension_semantics<subcore_parallel>], iteration_bounds = array<i64: 1, 16>, scalar_prefetch = 0 : i64, scratch_operands = 6 : i64, tpu.core_type = #tpu.core_type<sc_vector_subcore>, window_params = [{transform_indices = #map}, {transform_indices = #map}, {transform_indices = #map}]} {
    %mul3A = arith.constant 1 : i32
    %mul3A_0 = arith.muli %arg1, %mul3A : i32
    %add3A = arith.addi %mul3A_0, %arg0 : i32
    %mul3A_1 = arith.constant 1024 : i32
    %mul3A_2 = arith.muli %add3A, %mul3A_1 : i32
    tpu.enqueue_dma source(%arg3 : memref<1001xf32, #tpu.memory_space<hbm>>) target(%arg5 : memref<1001xf32, #tpu.memory_space<vmem>>) target_semaphore(%arg8 : memref<!tpu.dma_semaphore, #tpu.memory_space<semaphore_mem>>)
    %dma_start3A = tpu.memref_slice %arg2[%mul3A_2] : memref<16384xi32, #tpu.memory_space<hbm>> -> memref<1024xi32, #tpu.memory_space<hbm>>
    %dma_start3A_3 = tpu.memref_slice %arg2[%mul3A_2] : memref<16384xi32, #tpu.memory_space<hbm>> -> memref<1024xi32, #tpu.memory_space<hbm>>
    tpu.enqueue_dma source(%dma_start3A_3 : memref<1024xi32, #tpu.memory_space<hbm>>) target(%arg6 : memref<1024xi32, #tpu.memory_space<vmem>>) target_semaphore(%arg9 : memref<!tpu.dma_semaphore, #tpu.memory_space<semaphore_mem>>)
    tpu.wait_dma2 semaphore(%arg8 : memref<!tpu.dma_semaphore, #tpu.memory_space<semaphore_mem>>) src(%arg3 : memref<1001xf32, #tpu.memory_space<hbm>>) dst(%arg5 : memref<1001xf32, #tpu.memory_space<vmem>>)
    %dma_wait3A = tpu.memref_slice %arg2[%mul3A_2] : memref<16384xi32, #tpu.memory_space<hbm>> -> memref<1024xi32, #tpu.memory_space<hbm>>
    %dma_wait3A_4 = tpu.memref_slice %arg2[%mul3A_2] : memref<16384xi32, #tpu.memory_space<hbm>> -> memref<1024xi32, #tpu.memory_space<hbm>>
    tpu.wait_dma2 semaphore(%arg9 : memref<!tpu.dma_semaphore, #tpu.memory_space<semaphore_mem>>) src(%dma_wait3A_4 : memref<1024xi32, #tpu.memory_space<hbm>>) dst(%arg6 : memref<1024xi32, #tpu.memory_space<vmem>>)
    %scan3A = arith.constant 0 : i32
    %scan3A_5 = arith.constant 32 : i32
    %scan3A_6 = arith.addi %scan3A, %scan3A_5 : i32
    %scan3A_7 = arith.constant 4 : i32
    scf.for %scan3A_40 = %scan3A to %scan3A_6 step %scan3A_7  : i32 {
      %mul3A_41 = arith.constant 1 : i32
      %mul3A_42 = arith.muli %scan3A_40, %mul3A_41 : i32
      %add3A_43 = arith.constant 0 : i32
      %add3A_44 = arith.addi %add3A_43, %mul3A_42 : i32
      %mul3A_45 = arith.constant 16 : i32
      %mul3A_46 = arith.muli %add3A_44, %mul3A_45 : i32
      %get3A = arith.index_cast %mul3A_46 : i32 to index
      %get3A_47 = tpu.vector_load %arg6[%get3A] {strides = array<i32>} : memref<1024xi32, #tpu.memory_space<vmem>>, vector<16xi32>,
      %max3A = arith.constant 0 : i32
      %max3A_48 = vector.broadcast %max3A : i32 to vector<16xi32>
      %max3A_49 = arith.maxsi %get3A_47, %max3A_48 : vector<16xi32>
      %min3A = arith.constant 999 : i32
      %min3A_50 = vector.broadcast %min3A : i32 to vector<16xi32>
      %min3A_51 = arith.minsi %max3A_49, %min3A_50 : vector<16xi32>
      %gather3A = tpu.vector_load_idx %arg5[%min3A_51] : memref<1001xf32, #tpu.memory_space<vmem>>[vector<16xi32>], vector<16xf32>,
      %swap3A = arith.index_cast %mul3A_46 : i32 to index
      %swap3A_52 = tpu.vector_load %arg7[%swap3A] {strides = array<i32>} : memref<1024xf32, #tpu.memory_space<vmem>>, vector<16xf32>,
      tpu.vector_store %arg7[%swap3A], %gather3A {strides = array<i32>} : memref<1024xf32, #tpu.memory_space<vmem>>, vector<16xf32>,
      %scan3A_53 = arith.constant 1 : i32
      %scan3A_54 = arith.addi %scan3A_40, %scan3A_53 : i32
      %mul3A_55 = arith.constant 1 : i32
      %mul3A_56 = arith.muli %scan3A_54, %mul3A_55 : i32
      %add3A_57 = arith.constant 0 : i32
      %add3A_58 = arith.addi %add3A_57, %mul3A_56 : i32
      %mul3A_59 = arith.constant 16 : i32
      %mul3A_60 = arith.muli %add3A_58, %mul3A_59 : i32
      %get3A_61 = arith.index_cast %mul3A_60 : i32 to index
      %get3A_62 = tpu.vector_load %arg6[%get3A_61] {strides = array<i32>} : memref<1024xi32, #tpu.memory_space<vmem>>, vector<16xi32>,
      %max3A_63 = arith.constant 0 : i32
      %max3A_64 = vector.broadcast %max3A_63 : i32 to vector<16xi32>
      %max3A_65 = arith.maxsi %get3A_62, %max3A_64 : vector<16xi32>
      %min3A_66 = arith.constant 999 : i32
      %min3A_67 = vector.broadcast %min3A_66 : i32 to vector<16xi32>
      %min3A_68 = arith.minsi %max3A_65, %min3A_67 : vector<16xi32>
      %gather3A_69 = tpu.vector_load_idx %arg5[%min3A_68] : memref<1001xf32, #tpu.memory_space<vmem>>[vector<16xi32>], vector<16xf32>,
      %swap3A_70 = arith.index_cast %mul3A_60 : i32 to index
      %swap3A_71 = tpu.vector_load %arg7[%swap3A_70] {strides = array<i32>} : memref<1024xf32, #tpu.memory_space<vmem>>, vector<16xf32>,
      tpu.vector_store %arg7[%swap3A_70], %gather3A_69 {strides = array<i32>} : memref<1024xf32, #tpu.memory_space<vmem>>, vector<16xf32>,
      %scan3A_72 = arith.constant 2 : i32
      %scan3A_73 = arith.addi %scan3A_40, %scan3A_72 : i32
      %mul3A_74 = arith.constant 1 : i32
      %mul3A_75 = arith.muli %scan3A_73, %mul3A_74 : i32
      %add3A_76 = arith.constant 0 : i32
      %add3A_77 = arith.addi %add3A_76, %mul3A_75 : i32
      %mul3A_78 = arith.constant 16 : i32
      %mul3A_79 = arith.muli %add3A_77, %mul3A_78 : i32
      %get3A_80 = arith.index_cast %mul3A_79 : i32 to index
      %get3A_81 = tpu.vector_load %arg6[%get3A_80] {strides = array<i32>} : memref<1024xi32, #tpu.memory_space<vmem>>, vector<16xi32>,
      %max3A_82 = arith.constant 0 : i32
      %max3A_83 = vector.broadcast %max3A_82 : i32 to vector<16xi32>
      %max3A_84 = arith.maxsi %get3A_81, %max3A_83 : vector<16xi32>
      %min3A_85 = arith.constant 999 : i32
      %min3A_86 = vector.broadcast %min3A_85 : i32 to vector<16xi32>
      %min3A_87 = arith.minsi %max3A_84, %min3A_86 : vector<16xi32>
      %gather3A_88 = tpu.vector_load_idx %arg5[%min3A_87] : memref<1001xf32, #tpu.memory_space<vmem>>[vector<16xi32>], vector<16xf32>,
      %swap3A_89 = arith.index_cast %mul3A_79 : i32 to index
      %swap3A_90 = tpu.vector_load %arg7[%swap3A_89] {strides = array<i32>} : memref<1024xf32, #tpu.memory_space<vmem>>, vector<16xf32>,
      tpu.vector_store %arg7[%swap3A_89], %gather3A_88 {strides = array<i32>} : memref<1024xf32, #tpu.memory_space<vmem>>, vector<16xf32>,
      %scan3A_91 = arith.constant 3 : i32
      %scan3A_92 = arith.addi %scan3A_40, %scan3A_91 : i32
      %mul3A_93 = arith.constant 1 : i32
      %mul3A_94 = arith.muli %scan3A_92, %mul3A_93 : i32
      %add3A_95 = arith.constant 0 : i32
      %add3A_96 = arith.addi %add3A_95, %mul3A_94 : i32
      %mul3A_97 = arith.constant 16 : i32
      %mul3A_98 = arith.muli %add3A_96, %mul3A_97 : i32
      %get3A_99 = arith.index_cast %mul3A_98 : i32 to index
      %get3A_100 = tpu.vector_load %arg6[%get3A_99] {strides = array<i32>} : memref<1024xi32, #tpu.memory_space<vmem>>, vector<16xi32>,
      %max3A_101 = arith.constant 0 : i32
      %max3A_102 = vector.broadcast %max3A_101 : i32 to vector<16xi32>
      %max3A_103 = arith.maxsi %get3A_100, %max3A_102 : vector<16xi32>
      %min3A_104 = arith.constant 999 : i32
      %min3A_105 = vector.broadcast %min3A_104 : i32 to vector<16xi32>
      %min3A_106 = arith.minsi %max3A_103, %min3A_105 : vector<16xi32>
      %gather3A_107 = tpu.vector_load_idx %arg5[%min3A_106] : memref<1001xf32, #tpu.memory_space<vmem>>[vector<16xi32>], vector<16xf32>,
      %swap3A_108 = arith.index_cast %mul3A_98 : i32 to index
      %swap3A_109 = tpu.vector_load %arg7[%swap3A_108] {strides = array<i32>} : memref<1024xf32, #tpu.memory_space<vmem>>, vector<16xf32>,
      tpu.vector_store %arg7[%swap3A_108], %gather3A_107 {strides = array<i32>} : memref<1024xf32, #tpu.memory_space<vmem>>, vector<16xf32>,
    }
    %scan3A_8 = arith.constant 32 : i32
    %dma_start3A_9 = arith.constant 0 : i32
    %dma_start3A_10 = tpu.memref_slice %arg7[%dma_start3A_9] : memref<1024xf32, #tpu.memory_space<vmem>> -> memref<512xf32, #tpu.memory_space<vmem>>
    %dma_start3A_11 = tpu.memref_slice %arg4[%mul3A_2] : memref<16384xf32, #tpu.memory_space<hbm>> -> memref<512xf32, #tpu.memory_space<hbm>>
    %dma_start3A_12 = tpu.memref_slice %arg4[%mul3A_2] : memref<16384xf32, #tpu.memory_space<hbm>> -> memref<512xf32, #tpu.memory_space<hbm>>
    %dma_start3A_13 = arith.constant 0 : i32
    %dma_start3A_14 = tpu.memref_slice %arg7[%dma_start3A_13] : memref<1024xf32, #tpu.memory_space<vmem>> -> memref<512xf32, #tpu.memory_space<vmem>>
    tpu.enqueue_dma source(%dma_start3A_14 : memref<512xf32, #tpu.memory_space<vmem>>) target(%dma_start3A_12 : memref<512xf32, #tpu.memory_space<hbm>>) target_semaphore(%arg10 : memref<!tpu.dma_semaphore, #tpu.memory_space<semaphore_mem>>)
    %scan3A_15 = arith.constant 0 : i32
    %scan3A_16 = arith.constant 32 : i32
    %scan3A_17 = arith.addi %scan3A_15, %scan3A_16 : i32
    %scan3A_18 = arith.constant 4 : i32
    scf.for %scan3A_40 = %scan3A_15 to %scan3A_17 step %scan3A_18  : i32 {
      %mul3A_41 = arith.constant 1 : i32
      %mul3A_42 = arith.muli %scan3A_40, %mul3A_41 : i32
      %add3A_43 = arith.constant 32 : i32
      %add3A_44 = arith.addi %add3A_43, %mul3A_42 : i32
      %mul3A_45 = arith.constant 16 : i32
      %mul3A_46 = arith.muli %add3A_44, %mul3A_45 : i32
      %get3A = arith.index_cast %mul3A_46 : i32 to index
      %get3A_47 = tpu.vector_load %arg6[%get3A] {strides = array<i32>} : memref<1024xi32, #tpu.memory_space<vmem>>, vector<16xi32>,
      %max3A = arith.constant 0 : i32
      %max3A_48 = vector.broadcast %max3A : i32 to vector<16xi32>
      %max3A_49 = arith.maxsi %get3A_47, %max3A_48 : vector<16xi32>
      %min3A = arith.constant 999 : i32
      %min3A_50 = vector.broadcast %min3A : i32 to vector<16xi32>
      %min3A_51 = arith.minsi %max3A_49, %min3A_50 : vector<16xi32>
      %gather3A = tpu.vector_load_idx %arg5[%min3A_51] : memref<1001xf32, #tpu.memory_space<vmem>>[vector<16xi32>], vector<16xf32>,
      %swap3A = arith.index_cast %mul3A_46 : i32 to index
      %swap3A_52 = tpu.vector_load %arg7[%swap3A] {strides = array<i32>} : memref<1024xf32, #tpu.memory_space<vmem>>, vector<16xf32>,
      tpu.vector_store %arg7[%swap3A], %gather3A {strides = array<i32>} : memref<1024xf32, #tpu.memory_space<vmem>>, vector<16xf32>,
      %scan3A_53 = arith.constant 1 : i32
      %scan3A_54 = arith.addi %scan3A_40, %scan3A_53 : i32
      %mul3A_55 = arith.constant 1 : i32
      %mul3A_56 = arith.muli %scan3A_54, %mul3A_55 : i32
      %add3A_57 = arith.constant 32 : i32
      %add3A_58 = arith.addi %add3A_57, %mul3A_56 : i32
      %mul3A_59 = arith.constant 16 : i32
      %mul3A_60 = arith.muli %add3A_58, %mul3A_59 : i32
      %get3A_61 = arith.index_cast %mul3A_60 : i32 to index
      %get3A_62 = tpu.vector_load %arg6[%get3A_61] {strides = array<i32>} : memref<1024xi32, #tpu.memory_space<vmem>>, vector<16xi32>,
      %max3A_63 = arith.constant 0 : i32
      %max3A_64 = vector.broadcast %max3A_63 : i32 to vector<16xi32>
      %max3A_65 = arith.maxsi %get3A_62, %max3A_64 : vector<16xi32>
      %min3A_66 = arith.constant 999 : i32
      %min3A_67 = vector.broadcast %min3A_66 : i32 to vector<16xi32>
      %min3A_68 = arith.minsi %max3A_65, %min3A_67 : vector<16xi32>
      %gather3A_69 = tpu.vector_load_idx %arg5[%min3A_68] : memref<1001xf32, #tpu.memory_space<vmem>>[vector<16xi32>], vector<16xf32>,
      %swap3A_70 = arith.index_cast %mul3A_60 : i32 to index
      %swap3A_71 = tpu.vector_load %arg7[%swap3A_70] {strides = array<i32>} : memref<1024xf32, #tpu.memory_space<vmem>>, vector<16xf32>,
      tpu.vector_store %arg7[%swap3A_70], %gather3A_69 {strides = array<i32>} : memref<1024xf32, #tpu.memory_space<vmem>>, vector<16xf32>,
      %scan3A_72 = arith.constant 2 : i32
      %scan3A_73 = arith.addi %scan3A_40, %scan3A_72 : i32
      %mul3A_74 = arith.constant 1 : i32
      %mul3A_75 = arith.muli %scan3A_73, %mul3A_74 : i32
      %add3A_76 = arith.constant 32 : i32
      %add3A_77 = arith.addi %add3A_76, %mul3A_75 : i32
      %mul3A_78 = arith.constant 16 : i32
      %mul3A_79 = arith.muli %add3A_77, %mul3A_78 : i32
      %get3A_80 = arith.index_cast %mul3A_79 : i32 to index
      %get3A_81 = tpu.vector_load %arg6[%get3A_80] {strides = array<i32>} : memref<1024xi32, #tpu.memory_space<vmem>>, vector<16xi32>,
      %max3A_82 = arith.constant 0 : i32
      %max3A_83 = vector.broadcast %max3A_82 : i32 to vector<16xi32>
      %max3A_84 = arith.maxsi %get3A_81, %max3A_83 : vector<16xi32>
      %min3A_85 = arith.constant 999 : i32
      %min3A_86 = vector.broadcast %min3A_85 : i32 to vector<16xi32>
      %min3A_87 = arith.minsi %max3A_84, %min3A_86 : vector<16xi32>
      %gather3A_88 = tpu.vector_load_idx %arg5[%min3A_87] : memref<1001xf32, #tpu.memory_space<vmem>>[vector<16xi32>], vector<16xf32>,
      %swap3A_89 = arith.index_cast %mul3A_79 : i32 to index
      %swap3A_90 = tpu.vector_load %arg7[%swap3A_89] {strides = array<i32>} : memref<1024xf32, #tpu.memory_space<vmem>>, vector<16xf32>,
      tpu.vector_store %arg7[%swap3A_89], %gather3A_88 {strides = array<i32>} : memref<1024xf32, #tpu.memory_space<vmem>>, vector<16xf32>,
      %scan3A_91 = arith.constant 3 : i32
      %scan3A_92 = arith.addi %scan3A_40, %scan3A_91 : i32
      %mul3A_93 = arith.constant 1 : i32
      %mul3A_94 = arith.muli %scan3A_92, %mul3A_93 : i32
      %add3A_95 = arith.constant 32 : i32
      %add3A_96 = arith.addi %add3A_95, %mul3A_94 : i32
      %mul3A_97 = arith.constant 16 : i32
      %mul3A_98 = arith.muli %add3A_96, %mul3A_97 : i32
      %get3A_99 = arith.index_cast %mul3A_98 : i32 to index
      %get3A_100 = tpu.vector_load %arg6[%get3A_99] {strides = array<i32>} : memref<1024xi32, #tpu.memory_space<vmem>>, vector<16xi32>,
      %max3A_101 = arith.constant 0 : i32
      %max3A_102 = vector.broadcast %max3A_101 : i32 to vector<16xi32>
      %max3A_103 = arith.maxsi %get3A_100, %max3A_102 : vector<16xi32>
      %min3A_104 = arith.constant 999 : i32
      %min3A_105 = vector.broadcast %min3A_104 : i32 to vector<16xi32>
      %min3A_106 = arith.minsi %max3A_103, %min3A_105 : vector<16xi32>
      %gather3A_107 = tpu.vector_load_idx %arg5[%min3A_106] : memref<1001xf32, #tpu.memory_space<vmem>>[vector<16xi32>], vector<16xf32>,
      %swap3A_108 = arith.index_cast %mul3A_98 : i32 to index
      %swap3A_109 = tpu.vector_load %arg7[%swap3A_108] {strides = array<i32>} : memref<1024xf32, #tpu.memory_space<vmem>>, vector<16xf32>,
      tpu.vector_store %arg7[%swap3A_108], %gather3A_107 {strides = array<i32>} : memref<1024xf32, #tpu.memory_space<vmem>>, vector<16xf32>,
    }
    %scan3A_19 = arith.constant 32 : i32
    %add3A_20 = arith.constant 512 : i32
    %add3A_21 = arith.addi %mul3A_2, %add3A_20 : i32
    %dma_start3A_22 = arith.constant 512 : i32
    %dma_start3A_23 = tpu.memref_slice %arg7[%dma_start3A_22] : memref<1024xf32, #tpu.memory_space<vmem>> -> memref<512xf32, #tpu.memory_space<vmem>>
    %dma_start3A_24 = tpu.memref_slice %arg4[%add3A_21] : memref<16384xf32, #tpu.memory_space<hbm>> -> memref<512xf32, #tpu.memory_space<hbm>>
    %dma_start3A_25 = tpu.memref_slice %arg4[%add3A_21] : memref<16384xf32, #tpu.memory_space<hbm>> -> memref<512xf32, #tpu.memory_space<hbm>>
    %dma_start3A_26 = arith.constant 512 : i32
    %dma_start3A_27 = tpu.memref_slice %arg7[%dma_start3A_26] : memref<1024xf32, #tpu.memory_space<vmem>> -> memref<512xf32, #tpu.memory_space<vmem>>
    tpu.enqueue_dma source(%dma_start3A_27 : memref<512xf32, #tpu.memory_space<vmem>>) target(%dma_start3A_25 : memref<512xf32, #tpu.memory_space<hbm>>) target_semaphore(%arg10 : memref<!tpu.dma_semaphore, #tpu.memory_space<semaphore_mem>>)
    %dma_wait3A_28 = arith.constant 0 : i32
    %dma_wait3A_29 = tpu.memref_slice %arg7[%dma_wait3A_28] : memref<1024xf32, #tpu.memory_space<vmem>> -> memref<512xf32, #tpu.memory_space<vmem>>
    %dma_wait3A_30 = tpu.memref_slice %arg4[%mul3A_2] : memref<16384xf32, #tpu.memory_space<hbm>> -> memref<512xf32, #tpu.memory_space<hbm>>
    %dma_wait3A_31 = tpu.memref_slice %arg4[%mul3A_2] : memref<16384xf32, #tpu.memory_space<hbm>> -> memref<512xf32, #tpu.memory_space<hbm>>
    %dma_wait3A_32 = arith.constant 0 : i32
    %dma_wait3A_33 = tpu.memref_slice %arg7[%dma_wait3A_32] : memref<1024xf32, #tpu.memory_space<vmem>> -> memref<512xf32, #tpu.memory_space<vmem>>
    tpu.wait_dma2 semaphore(%arg10 : memref<!tpu.dma_semaphore, #tpu.memory_space<semaphore_mem>>) src(%dma_wait3A_33 : memref<512xf32, #tpu.memory_space<vmem>>) dst(%dma_wait3A_31 : memref<512xf32, #tpu.memory_space<hbm>>)
    %dma_wait3A_34 = arith.constant 512 : i32
    %dma_wait3A_35 = tpu.memref_slice %arg7[%dma_wait3A_34] : memref<1024xf32, #tpu.memory_space<vmem>> -> memref<512xf32, #tpu.memory_space<vmem>>
    %dma_wait3A_36 = tpu.memref_slice %arg4[%add3A_21] : memref<16384xf32, #tpu.memory_space<hbm>> -> memref<512xf32, #tpu.memory_space<hbm>>
    %dma_wait3A_37 = tpu.memref_slice %arg4[%add3A_21] : memref<16384xf32, #tpu.memory_space<hbm>> -> memref<512xf32, #tpu.memory_space<hbm>>
    %dma_wait3A_38 = arith.constant 512 : i32
    %dma_wait3A_39 = tpu.memref_slice %arg7[%dma_wait3A_38] : memref<1024xf32, #tpu.memory_space<vmem>> -> memref<512xf32, #tpu.memory_space<vmem>>
    tpu.wait_dma2 semaphore(%arg10 : memref<!tpu.dma_semaphore, #tpu.memory_space<semaphore_mem>>) src(%dma_wait3A_39 : memref<512xf32, #tpu.memory_space<vmem>>) dst(%dma_wait3A_37 : memref<512xf32, #tpu.memory_space<hbm>>)
    return
  }
}

</mosaic_0001>

<sc_bundles>
// kernel: kernel.3.cloned.1.call-start
scs
__scs_entry_jumppad:
0x0: {  	(pc) =	sbr.rel $0x88, $3  }
0x1: {  	(tag) =	ssettag $0x0;
	lr =	simm.s32 $0x1  }
0x2: {  	[smem:$0x3F9F] =	sst lr;
	_ =	strace $0xD0000000  }
0x3: {  	_ = 	snop  }
0x4: {  	_ = 	snop  }
0x5: {  	_ = 	snop  }
0x6: {  	_ = 	snop  }
0x7: {  	_ = 	snop  }
__scs_overlays_trampoline_lowered:
0x8: {  	[smem:$0x3FAE] =	sst s0  }
0x9: {  	[smem:$0x3FAF] =	sst s1  }
0xa: {  	[smem:$0x3FB0] =	sst s2  }
0xb: {  	[smem:$0x3FB1] =	sst s3  }
0xc: {  	[smem:$0x3FB2] =	sst s4  }
0xd: {  	[smem:$0x3FB3] =	sst s5  }
0xe: {  	[smem:$0x3FB4] =	sst s6  }
0xf: {  	[smem:$0x3FB5] =	sst s7  }
0x10: {  	[smem:$0x3FB6] =	sst s8  }
0x11: {  	[smem:$0x3FB7] =	sst s9;
	s0 =	simm.s32 @!p0 $0x0  }
0x12: {  	s1 =	sld [smem:$0x3F9D];
	s0 =	simm.s32 @p0 $0x1  }
0x13: {  	[smem:$0x3FB8] =	sst s0;
	s0 =	simm.s32 @!p1 $0x0  }
0x14: {  	s2 =	sld [smem:$0x3F9C];
	s0 =	simm.s32 @p1 $0x1  }
0x15: {  	[smem:$0x3FB9] =	sst s0;
	s0 =	simm.s32 @!p2 $0x0  }
0x16: {  	s3 =	sld [smem:$0x3FDB];
	s0 =	simm.s32 @p2 $0x1  }
0x17: {  	s4 =	simm.s32 $0x1BF5;
	[smem:$0x3FBB] =	sst s0  }
0x18: {  	s0 =	sld [smem:$0x3F9E];
	_ =	swait.ge [sflag:s4], $0x0  }
0x19: {  	s7 =	sld [smem:$0x3F9F]  }
0x1a: {  	s8 =	sadd.s32 $0xFFFFE003, lr  }
0x1b: {  	s9 =	sadd.s32 $0xFFFFFEF7, lr;
	s5 =	simm.s32 $0xFFFFFFFF;
	p2 =	slt.u32 s8, $0xFFFFF086  }
0x1c: {  	p1 =	slt.u32 s9, $0xF7A;
	s5 =	simm.s32 @!p2 $0x0  }
0x1d: {  	s5 =	simm.s32 @p1 $0x1;
	p0 =	seq.s32 s7, s2  }
0x1e: {  	s7 =	smul.u32 @!p0 $0xF7A, s2;
	p2 =	seq.s32 @!p0 s5, $0x0  }
0x1f: {  	s9 =	smul.u32 $0xF7A, s1;
	s8 =	simm.s32 @!p0 $0x1BF5;
	p2 =	por !p2, p0  }
0x20: {  	[sflag:s8] =	ssyncset.s32 @!p0 $0xFFFFF086;
	s6 =	sadd.s32 @!p0 s3, s7;
	s7 =	simm.s32 @!p0 $0x108  }
0x21: {  	s3 =	sadd.s32 s3, s9;
	s6 =	sadd.s32 @!p0 $0x88, s6;
	s7 =	simm.s32 @p2 $0x1082  }
0x22: {  	[simem:s7], [sflag:s8] =	dma.local @!p0 [hbm:s6], $0xF7A  }
0x23: {  	s9 =	sor.u32 $0xD0000000, s2;
	s6 =	simm.s32 $0x108;
	_ =	swait.ge @!p0 [sflag:s8], $0x0  }
0x24: {  	s3 =	sadd.s32 $0x88, s3;
	s6 =	simm.s32 @!p1 $0x1082;
	[sflag:s4] =	ssyncset.s32 $0xFFFFF086  }
0x25: {  	[simem:s6], [sflag:s4] =	dma.local [hbm:s3], $0xF7A  }
0x26: {  	[smem:$0x3F9F] =	sst s1;
	(tag) =	ssettag s2;
	_ =	strace s9  }
0x27: {  	s1 =	sld [smem:$0x3FAF]  }
0x28: {  	s2 =	sld [smem:$0x3FB0]  }
0x29: {  	s4 =	sld [smem:$0x3FB2]  }
0x2a: {  	p0 =	seq.s32 s5, $0x0;
	s5 =	sld [smem:$0x3FB3]  }
0x2b: {  	s6 =	sld [smem:$0x3FB4]  }
0x2c: {  	s7 =	sld [smem:$0x3FB5]  }
0x2d: {  	s3 =	simm.s32 $0x108;
	s8 =	sld [smem:$0x3FB6]  }
0x2e: {  	s3 =	simm.s32 @!p0 $0x1082;
	s9 =	sld [smem:$0x3FB7]  }
0x2f: {  	lr =	sadd.s32 s0, s3;
	s0 =	sld [smem:$0x3FAE]  }
0x30: {  	s3 =	sld [smem:$0x3FB1]  }
0x31: {  	[smem:$0x3FBA] =	sst s10  }
0x32: {  	s10 =	sld [smem:$0x3FB8];
	_ =	sdelay $0x3  }
0x33: {  	p0 =	seq.s32 s10, $0x1;
	s10 =	sld [smem:$0x3FBA];
	_ =	sdelay $0x3  }
0x34: {  	[smem:$0x3FBA] =	sst s10  }
0x35: {  	s10 =	sld [smem:$0x3FB9];
	_ =	sdelay $0x3  }
0x36: {  	p1 =	seq.s32 s10, $0x1;
	s10 =	sld [smem:$0x3FBA];
	_ =	sdelay $0x3  }
0x37: {  	[smem:$0x3FBA] =	sst s10  }
0x38: {  	s10 =	sld [smem:$0x3FBB]  }
0x39: {  	_ = 	snop;
	(pc) =	sbr.ind lr, $3  }
0x3a: {  	_ = 	snop  }
0x3b: {  	_ = 	snop  }
0x3c: {  	p2 =	seq.s32 s10, $0x1;
	s10 =	sld [smem:$0x3FBA]  }
0x3d: {  	_ =	shalt  }
0x3e: {  	_ =	shalt  }
0x3f: {  	_ =	shalt  }
0x40: {  	_ =	shalt  }
0x41: {  	_ =	shalt  }
0x42: {  	_ =	shalt  }
0x43: {  	_ =	shalt  }
0x44: {  	_ =	shalt  }
0x45: {  	_ =	shalt  }
0x46: {  	_ =	shalt  }
0x47: {  	_ =	shalt  }
0x48: {  	_ =	shalt  }
0x49: {  	_ =	shalt  }
0x4a: {  	_ =	shalt  }
0x4b: {  	_ =	shalt  }
0x4c: {  	_ =	shalt  }
0x4d: {  	_ =	shalt  }
0x4e: {  	_ =	shalt  }
0x4f: {  	_ =	shalt  }
0x50: {  	_ =	shalt  }
0x51: {  	_ =	shalt  }
0x52: {  	_ =	shalt  }
0x53: {  	_ =	shalt  }
0x54: {  	_ =	shalt  }
0x55: {  	_ =	shalt  }
0x56: {  	_ =	shalt  }
0x57: {  	_ =	shalt  }
0x58: {  	_ =	shalt  }
0x59: {  	_ =	shalt  }
0x5a: {  	_ =	shalt  }
0x5b: {  	_ =	shalt  }
0x5c: {  	_ =	shalt  }
0x5d: {  	_ =	shalt  }
0x5e: {  	_ =	shalt  }
0x5f: {  	_ =	shalt  }
0x60: {  	_ =	shalt  }
0x61: {  	_ =	shalt  }
0x62: {  	_ =	shalt  }
0x63: {  	_ =	shalt  }
0x64: {  	_ =	shalt  }
0x65: {  	_ =	shalt  }
0x66: {  	_ =	shalt  }
0x67: {  	_ =	shalt  }
0x68: {  	_ =	shalt  }
0x69: {  	_ =	shalt  }
0x6a: {  	_ =	shalt  }
0x6b: {  	_ =	shalt  }
0x6c: {  	_ =	shalt  }
0x6d: {  	_ =	shalt  }
0x6e: {  	_ =	shalt  }
0x6f: {  	_ =	shalt  }
0x70: {  	_ =	shalt  }
0x71: {  	_ =	shalt  }
0x72: {  	_ =	shalt  }
0x73: {  	_ =	shalt  }
0x74: {  	_ =	shalt  }
0x75: {  	_ =	shalt  }
0x76: {  	_ =	shalt  }
0x77: {  	_ =	shalt  }
0x78: {  	_ =	shalt  }
0x79: {  	_ =	shalt  }
0x7a: {  	_ =	shalt  }
0x7b: {  	_ =	shalt  }
0x7c: {  	_ =	shalt  }
0x7d: {  	_ =	shalt  }
0x7e: {  	_ =	shalt  }
0x7f: {  	_ =	shalt  }
0x80: {  	_ =	shalt  }
0x81: {  	_ =	shalt  }
0x82: {  	_ =	shalt  }
0x83: {  	_ =	shalt  }
0x84: {  	_ =	shalt  }
0x85: {  	_ =	shalt  }
0x86: {  	_ =	shalt  }
0x87: {  	_ =	shalt  }
.Lfunc_end0:
.L_simem_size_0:
called_computation_lowered:
.L_overlay_start_0:
0x88: {  	s0 =	sld [smem:$0x3FD9]  }
0x89: {  	s1 =	sld [smem:$0x3FFE];
	_ =	sdelay $0x3  }
0x8a: {  	s0 =	sadd.s32 s1, s0  }
0x8b: {  	[smem:$0x3FC6] =	sst s0  }
0x8c: {  	_ = 	snop  }
0x8d: {  	s0 =	sld [smem:$0x3FC9]  }
0x8e: {  	s17 =	sld [smem:$0x3FC8]  }
0x8f: {  	s2 =	sld [smem:$0x3FD0];
	(tm) =	ssettm $0x1  }
0x90: {  	s3 =	sld [smem:$0x3FFB];
	_ =	sdelay $0x3  }
0x91: {  	_ =	strace s3  }
0x92: {  	s3 =	sld [smem:$0x3FFC];
	_ =	sdelay $0x3  }
0x93: {  	_ =	strace s3  }
0x94: {  	s3 =	sld [smem:$0x3FFD];
	_ =	sdelay $0x3  }
0x95: {  	_ =	strace s3  }
0x96: {  	_ =	strace $0x8FFFFFFF  }
0x97: {  	s18 =	sld [smem:$0x3FDB];
	_ =	sdelay $0x1  }
0x98: {  	s4 =	simm.s32 $_scs_section_size  }
0x99: {  	s5 =	simm.s32 $_size__tile_overlayer_lowered;
	s6 =	simm.s32 $_tile_overlayer_lowered  }
0x9a: {  	s21 =	simm.s32 $0x1BFF;
	s20 =	sshll.u32 s6, $0x1;
	s3 =	sadd.s32 s4, s18  }
0x9b: {  	s7 =	simm.s32 $0x0;
	s19 =	sshll.u32 s5, $0x1;
	s5 =	sadd.s32 s20, s3  }
0x9c: {  	[timem:s7], [sflag:s21] =	dma.local [hbm:s5], s19  }
0x9d: {  	_ =	swait.ge [sflag:s21], s19  }
0x9e: {  	s4 =	ssub.s32 $0x0, s19;
	[sflag:s21] =	ssyncset.done $0x0  }
0x9f: {  	[sflag:s21] =	ssyncadd.s32 s4;
	_ =	sdelay $0x1  }
0xa0: {  	s22 =	simm.s32 $0x1B8B  }
0xa1: {  	_ =	swait.ge [sflag:s22], $0x1  }
0xa2: {  	[sflag:s22] =	ssyncset.done $0x0  }
0xa3: {  	s23 =	simm.s32 $0x1B8E;
	[sflag:s22] =	ssyncadd.s32 $0xFFFFFFFF  }
0xa4: {  	s24 =	simm.s32 $execute0_lowered;
	[smem:$0x3FD2] =	sst s23  }
0xa5: {  	s4 =	sshll.u32 s24, $0x1;
	_ =	strace $0x80000046;
	[dreg:$0x1] =	wrdreg $0xFFFFFFFF  }
0xa6: {  	s25 =	simm.s32 $_size_execute0_lowered;
	s3 =	sadd.s32 s3, s4;
	[dreg:$0x0] =	wrdreg $0x0  }
0xa7: {  	s4 =	sshll.u32 s25, $0x1;
	[dreg:$0x2] =	wrdreg s3  }
0xa8: {  	[dreg:$0x3] =	wrdreg s4  }
0xa9: {  	[dreg:$0x4] =	wrdreg $0xC0  }
0xaa: {  	_ =	task [dreg:s7], $0x5FFFF  }
0xab: {  	[dreg:$0x1] =	wrdreg $0xFFFFFFFF  }
0xac: {  	[dreg:$0x0] =	wrdreg $0x60  }
0xad: {  	[dreg:$0x2] =	wrdreg s0  }
0xae: {  	[dreg:$0x3] =	wrdreg s17  }
0xaf: {  	[dreg:$0x4] =	wrdreg s2  }
0xb0: {  	[dreg:$0x5] =	wrdreg $0x9  }
0xb1: {  	_ =	task.clear_ibuf [dreg:s7], $0x6FFFF;
	_ =	strace $0x90000046  }
0xb2: {  	s26 =	simm.s32 $0x9;
	_ =	strace $0x80000048  }
0xb3: {  	_ =	swait.ge [sflag:s26], $0x1  }
0xb4: {  	[sflag:s26] =	ssyncadd.s32 $0xFFFFFFFF  }
0xb5: {  	_ =	strace $0x90000048  }
0xb6: {  	_ =	sfence  }
0xb7: {  	s28 =	sld [smem:$0x0];
	_ =	sdelay $0x1  }
0xb8: {  	s29 =	srdreg.scid  }
0xb9: {  	s30 =	sshll.u32 s29, $0xD;
	s31 =	sshrl.u32 s29, $0x2  }
0xba: {  	s1 =	sand.u32 $0x1, s29;
	s2 =	sand.u32 $0x4000, s30;
	s0 =	sadd.s32 s31, s28  }
0xbb: {  	s1 =	sor.u32 s2, s1;
	s0 =	sshll.u32 s0, $0x11  }
0xbc: {  	s0 =	sor.u32 s0, s1  }
0xbd: {  	s0 =	sadd.s32 $0x8F2B, s0  }
0xbe: {  	[sflag:s0] =	ssyncadd.remote.s32 $0x1  }
0xbf: {  	_ =	sfence.sel $0xFFFF  }
0xc0: {  	[dreg:$0x0] =	wrdreg $0xFFFFFFFF;
	(pc) =	sbr.abs _section_cstart, $3  }
0xc1: {  	[dreg:$0x1] =	wrdreg $0xFFFFFFFF  }
0xc2: {  	_ =	task.clear_ibuf [dreg:s7], $0x2FFFF;
	_ =	strace $0x9FFFFFFF  }
0xc3: {  	(tm) =	ssettm $0x7FFFFFFF  }
tec
execute0_lowered:
.L_overlay_start_1:
0x0: {  	(tag) =	ssettag $0x1  }
0x1: {  	s5 =	rddreg [dreg:$0x0]  }
0x2: {  	s6 =	rddreg [dreg:$0x1]  }
0x3: {  	s3 =	rddreg [dreg:$0x2];
	s2 =	simm.s32 $0x0  }
0x4: {  	s1 =	stileid.u32;
	[smem:$0x7FF] =	sst s2  }
0x5: {  	s0 =	rddreg [dreg:$0x3];
	s4 =	sshll.u32 s1, $0x7;
	_ =	strace $0x80000047  }
0x6: {  	[tilespmem:s2], [sflag:$0x1] =	stream.linear.gather [hbm4b:s6+s2], $0x400, $0x38;
	[tilespmem:$0xC00] =	vst v63  }
0x7: {  	s25 =	simm.s32 $0x400;
	s26 =	simm.s32 $0x1;
	s5 =	sadd.s32 s5, s4  }
0x8: {  	[tilespmem:s25], [sflag:$0x2] =	stream.linear.gather [hbm4b:s5+s2], $0x400, $0x38;
	[tilespmem:$0xC00] =	vst v63  }
0x9: {  	_ =	swait.ge [sflag:s26], $0x400  }
0xa: {  	[sflag:s26] =	ssyncset.done $0x0  }
0xb: {  	s28 =	simm.s32 $0x2;
	[sflag:s26] =	ssyncadd.s32 $0xFFFFFC00  }
0xc: {  	_ =	swait.ge [sflag:s28], $0x400  }
0xd: {  	[sflag:s28] =	ssyncset.done $0x0  }
0xe: {  	[sflag:s28] =	ssyncadd.s32 $0xFFFFFC00  }
0xf: {  	v0 =	vld [tilespmem:$0x400];
	_ =	sdelay $0x4  }
0x10: {  	vm0 =	vgt.s32 v0, $0x0  }
0x11: {  	v1 =	vld [tilespmem:$0x410];
	v0 =	vnsel vm0, $0x0, v0  }
0x12: {  	v0 =	vmin.u32 v0, $0x3E7;
	_ =	sdelay $0x3  }
0x13: {  	v2 =	vld [tilespmem:$0x420];
	vm13 =	vgt.s32 v1, $0x0  }
0x14: {  	v1 =	vnsel vm13, $0x0, v1;
	v0 =	vld.idx.msk [tilespmem:v0+s2+$0x0], $0xffff  }
0x15: {  	v1 =	vmin.u32 v1, $0x3E7;
	_ =	sdelay $0x3  }
0x16: {  	v4 =	vld [tilespmem:$0x430];
	vm14 =	vgt.s32 v2, $0x0;
	[tilespmem:$0x800] =	vst v0  }
0x17: {  	v63 =	vnsel vm14, $0x0, v2;
	v0 =	vld.idx.msk [tilespmem:v1+s2+$0x0], $0xffff  }
0x18: {  	v1 =	vmin.u32 v63, $0x3E7;
	_ =	sdelay $0x3  }
0x19: {  	v6 =	vld [tilespmem:$0x440];
	vm15 =	vgt.s32 v4, $0x0;
	[tilespmem:$0x810] =	vst v0  }
0x1a: {  	v5 =	vnsel vm15, $0x0, v4;
	v0 =	vld.idx.msk [tilespmem:v1+s2+$0x0], $0xffff  }
0x1b: {  	v1 =	vmin.u32 v5, $0x3E7;
	_ =	sdelay $0x3  }
0x1c: {  	v8 =	vld [tilespmem:$0x450];
	vm4 =	vgt.s32 v6, $0x0;
	[tilespmem:$0x820] =	vst v0  }
0x1d: {  	v7 =	vnsel vm4, $0x0, v6;
	v0 =	vld.idx.msk [tilespmem:v1+s2+$0x0], $0xffff  }
0x1e: {  	v1 =	vmin.u32 v7, $0x3E7;
	_ =	sdelay $0x3  }
0x1f: {  	v10 =	vld [tilespmem:$0x460];
	vm5 =	vgt.s32 v8, $0x0;
	[tilespmem:$0x830] =	vst v0  }
0x20: {  	v9 =	vnsel vm5, $0x0, v8;
	v0 =	vld.idx.msk [tilespmem:v1+s2+$0x0], $0xffff  }
0x21: {  	v1 =	vmin.u32 v9, $0x3E7;
	_ =	sdelay $0x3  }
0x22: {  	v12 =	vld [tilespmem:$0x470];
	vm6 =	vgt.s32 v10, $0x0;
	[tilespmem:$0x840] =	vst v0  }
0x23: {  	v11 =	vnsel vm6, $0x0, v10;
	v0 =	vld.idx.msk [tilespmem:v1+s2+$0x0], $0xffff  }
0x24: {  	v1 =	vmin.u32 v11, $0x3E7;
	_ =	sdelay $0x3  }
0x25: {  	v14 =	vld [tilespmem:$0x480];
	vm7 =	vgt.s32 v12, $0x0;
	[tilespmem:$0x850] =	vst v0  }
0x26: {  	v13 =	vnsel vm7, $0x0, v12;
	v0 =	vld.idx.msk [tilespmem:v1+s2+$0x0], $0xffff  }
0x27: {  	v1 =	vmin.u32 v13, $0x3E7;
	_ =	sdelay $0x3  }
0x28: {  	v16 =	vld [tilespmem:$0x490];
	vm8 =	vgt.s32 v14, $0x0;
	[tilespmem:$0x860] =	vst v0  }
0x29: {  	v15 =	vnsel vm8, $0x0, v14;
	v0 =	vld.idx.msk [tilespmem:v1+s2+$0x0], $0xffff  }
0x2a: {  	v1 =	vmin.u32 v15, $0x3E7;
	_ =	sdelay $0x3  }
0x2b: {  	v18 =	vld [tilespmem:$0x4A0];
	vm9 =	vgt.s32 v16, $0x0;
	[tilespmem:$0x870] =	vst v0  }
0x2c: {  	v17 =	vnsel vm9, $0x0, v16;
	v0 =	vld.idx.msk [tilespmem:v1+s2+$0x0], $0xffff  }
0x2d: {  	v1 =	vmin.u32 v17, $0x3E7;
	_ =	sdelay $0x3  }
0x2e: {  	v20 =	vld [tilespmem:$0x4B0];
	vm10 =	vgt.s32 v18, $0x0;
	[tilespmem:$0x880] =	vst v0  }
0x2f: {  	v19 =	vnsel vm10, $0x0, v18;
	v0 =	vld.idx.msk [tilespmem:v1+s2+$0x0], $0xffff  }
0x30: {  	v1 =	vmin.u32 v19, $0x3E7;
	_ =	sdelay $0x3  }
0x31: {  	v22 =	vld [tilespmem:$0x4C0];
	vm11 =	vgt.s32 v20, $0x0;
	[tilespmem:$0x890] =	vst v0  }
0x32: {  	v21 =	vnsel vm11, $0x0, v20;
	v0 =	vld.idx.msk [tilespmem:v1+s2+$0x0], $0xffff  }
0x33: {  	v1 =	vmin.u32 v21, $0x3E7;
	_ =	sdelay $0x3  }
0x34: {  	v24 =	vld [tilespmem:$0x4D0];
	vm12 =	vgt.s32 v22, $0x0;
	[tilespmem:$0x8A0] =	vst v0  }
0x35: {  	v23 =	vnsel vm12, $0x0, v22;
	v0 =	vld.idx.msk [tilespmem:v1+s2+$0x0], $0xffff  }
0x36: {  	v1 =	vmin.u32 v23, $0x3E7;
	_ =	sdelay $0x3  }
0x37: {  	v26 =	vld [tilespmem:$0x4E0];
	vm13 =	vgt.s32 v24, $0x0;
	[tilespmem:$0x8B0] =	vst v0  }
0x38: {  	v25 =	vnsel vm13, $0x0, v24;
	v0 =	vld.idx.msk [tilespmem:v1+s2+$0x0], $0xffff  }
0x39: {  	v1 =	vmin.u32 v25, $0x3E7;
	_ =	sdelay $0x3  }
0x3a: {  	v28 =	vld [tilespmem:$0x4F0];
	vm14 =	vgt.s32 v26, $0x0;
	[tilespmem:$0x8C0] =	vst v0  }
0x3b: {  	v27 =	vnsel vm14, $0x0, v26;
	v0 =	vld.idx.msk [tilespmem:v1+s2+$0x0], $0xffff  }
0x3c: {  	v1 =	vmin.u32 v27, $0x3E7;
	_ =	sdelay $0x3  }
0x3d: {  	v30 =	vld [tilespmem:$0x500];
	vm15 =	vgt.s32 v28, $0x0;
	[tilespmem:$0x8D0] =	vst v0  }
0x3e: {  	v29 =	vnsel vm15, $0x0, v28;
	v0 =	vld.idx.msk [tilespmem:v1+s2+$0x0], $0xffff  }
0x3f: {  	v1 =	vmin.u32 v29, $0x3E7;
	_ =	sdelay $0x3  }
0x40: {  	v32 =	vld [tilespmem:$0x510];
	vm4 =	vgt.s32 v30, $0x0;
	[tilespmem:$0x8E0] =	vst v0  }
0x41: {  	v31 =	vnsel vm4, $0x0, v30;
	v0 =	vld.idx.msk [tilespmem:v1+s2+$0x0], $0xffff  }
0x42: {  	v1 =	vmin.u32 v31, $0x3E7;
	_ =	sdelay $0x3  }
0x43: {  	v34 =	vld [tilespmem:$0x520];
	vm5 =	vgt.s32 v32, $0x0;
	[tilespmem:$0x8F0] =	vst v0  }
0x44: {  	v33 =	vnsel vm5, $0x0, v32;
	v0 =	vld.idx.msk [tilespmem:v1+s2+$0x0], $0xffff  }
0x45: {  	v1 =	vmin.u32 v33, $0x3E7;
	_ =	sdelay $0x3  }
0x46: {  	v36 =	vld [tilespmem:$0x530];
	vm6 =	vgt.s32 v34, $0x0;
	[tilespmem:$0x900] =	vst v0  }
0x47: {  	v35 =	vnsel vm6, $0x0, v34;
	v0 =	vld.idx.msk [tilespmem:v1+s2+$0x0], $0xffff  }
0x48: {  	v1 =	vmin.u32 v35, $0x3E7;
	_ =	sdelay $0x3  }
0x49: {  	v38 =	vld [tilespmem:$0x540];
	vm7 =	vgt.s32 v36, $0x0;
	[tilespmem:$0x910] =	vst v0  }
0x4a: {  	v37 =	vnsel vm7, $0x0, v36;
	v0 =	vld.idx.msk [tilespmem:v1+s2+$0x0], $0xffff  }
0x4b: {  	v1 =	vmin.u32 v37, $0x3E7;
	_ =	sdelay $0x3  }
0x4c: {  	v40 =	vld [tilespmem:$0x550];
	vm8 =	vgt.s32 v38, $0x0;
	[tilespmem:$0x920] =	vst v0  }
0x4d: {  	v39 =	vnsel vm8, $0x0, v38;
	v0 =	vld.idx.msk [tilespmem:v1+s2+$0x0], $0xffff  }
0x4e: {  	v1 =	vmin.u32 v39, $0x3E7;
	_ =	sdelay $0x3  }
0x4f: {  	v42 =	vld [tilespmem:$0x560];
	vm9 =	vgt.s32 v40, $0x0;
	[tilespmem:$0x930] =	vst v0  }
0x50: {  	v41 =	vnsel vm9, $0x0, v40;
	v0 =	vld.idx.msk [tilespmem:v1+s2+$0x0], $0xffff  }
0x51: {  	v1 =	vmin.u32 v41, $0x3E7;
	_ =	sdelay $0x3  }
0x52: {  	v44 =	vld [tilespmem:$0x570];
	vm10 =	vgt.s32 v42, $0x0;
	[tilespmem:$0x940] =	vst v0  }
0x53: {  	v43 =	vnsel vm10, $0x0, v42;
	v0 =	vld.idx.msk [tilespmem:v1+s2+$0x0], $0xffff  }
0x54: {  	v1 =	vmin.u32 v43, $0x3E7;
	_ =	sdelay $0x3  }
0x55: {  	v46 =	vld [tilespmem:$0x580];
	vm11 =	vgt.s32 v44, $0x0;
	[tilespmem:$0x950] =	vst v0  }
0x56: {  	v45 =	vnsel vm11, $0x0, v44;
	v0 =	vld.idx.msk [tilespmem:v1+s2+$0x0], $0xffff  }
0x57: {  	v1 =	vmin.u32 v45, $0x3E7;
	_ =	sdelay $0x3  }
0x58: {  	v48 =	vld [tilespmem:$0x590];
	vm12 =	vgt.s32 v46, $0x0;
	[tilespmem:$0x960] =	vst v0  }
0x59: {  	v47 =	vnsel vm12, $0x0, v46;
	v0 =	vld.idx.msk [tilespmem:v1+s2+$0x0], $0xffff  }
0x5a: {  	v1 =	vmin.u32 v47, $0x3E7;
	_ =	sdelay $0x3  }
0x5b: {  	v50 =	vld [tilespmem:$0x5A0];
	vm13 =	vgt.s32 v48, $0x0;
	[tilespmem:$0x970] =	vst v0  }
0x5c: {  	v49 =	vnsel vm13, $0x0, v48;
	v0 =	vld.idx.msk [tilespmem:v1+s2+$0x0], $0xffff  }
0x5d: {  	v1 =	vmin.u32 v49, $0x3E7;
	_ =	sdelay $0x3  }
0x5e: {  	v52 =	vld [tilespmem:$0x5B0];
	vm14 =	vgt.s32 v50, $0x0;
	[tilespmem:$0x980] =	vst v0  }
0x5f: {  	v51 =	vnsel vm14, $0x0, v50;
	v0 =	vld.idx.msk [tilespmem:v1+s2+$0x0], $0xffff  }
0x60: {  	v1 =	vmin.u32 v51, $0x3E7;
	_ =	sdelay $0x3  }
0x61: {  	v54 =	vld [tilespmem:$0x5C0];
	vm15 =	vgt.s32 v52, $0x0;
	[tilespmem:$0x990] =	vst v0  }
0x62: {  	v53 =	vnsel vm15, $0x0, v52;
	v0 =	vld.idx.msk [tilespmem:v1+s2+$0x0], $0xffff  }
0x63: {  	v1 =	vmin.u32 v53, $0x3E7;
	_ =	sdelay $0x3  }
0x64: {  	v56 =	vld [tilespmem:$0x5D0];
	vm4 =	vgt.s32 v54, $0x0;
	[tilespmem:$0x9A0] =	vst v0  }
0x65: {  	v55 =	vnsel vm4, $0x0, v54;
	v0 =	vld.idx.msk [tilespmem:v1+s2+$0x0], $0xffff  }
0x66: {  	v1 =	vmin.u32 v55, $0x3E7;
	_ =	sdelay $0x3  }
0x67: {  	v58 =	vld [tilespmem:$0x5E0];
	vm5 =	vgt.s32 v56, $0x0;
	[tilespmem:$0x9B0] =	vst v0  }
0x68: {  	v57 =	vnsel vm5, $0x0, v56;
	v0 =	vld.idx.msk [tilespmem:v1+s2+$0x0], $0xffff  }
0x69: {  	v1 =	vmin.u32 v57, $0x3E7;
	_ =	sdelay $0x3  }
0x6a: {  	v60 =	vld [tilespmem:$0x5F0];
	vm6 =	vgt.s32 v58, $0x0;
	[tilespmem:$0x9C0] =	vst v0  }
0x6b: {  	v59 =	vnsel vm6, $0x0, v58;
	v0 =	vld.idx.msk [tilespmem:v1+s2+$0x0], $0xffff  }
0x6c: {  	v1 =	vmin.u32 v59, $0x3E7;
	_ =	sdelay $0x3  }
0x6d: {  	vm7 =	vgt.s32 v60, $0x0;
	[tilespmem:$0x9D0] =	vst v0  }
0x6e: {  	v61 =	vnsel vm7, $0x0, v60;
	v0 =	vld.idx.msk [tilespmem:v1+s2+$0x0], $0xffff  }
0x6f: {  	v1 =	vmin.u32 v61, $0x3E7;
	_ =	sdelay $0x3  }
0x70: {  	[tilespmem:$0x9E0] =	vst v0  }
0x71: {  	v0 =	vld.idx.msk [tilespmem:v1+s2+$0x0], $0xffff;
	_ =	sdelay $0x4  }
0x72: {  	s29 =	simm.s32 $0x800;
	s3 =	sadd.s32 s3, s4;
	[tilespmem:$0x9F0] =	vst v0  }
0x73: {  	[hbm4b:s3+s2] =	stream.linear.scatter [tilespmem:s29], [sflag:$0x3], $0x200, $0x38;
	[tilespmem:$0xC00] =	vst v63  }
0x74: {  	v62 =	vld [tilespmem:$0x600];
	_ =	sdelay $0x4  }
0x75: {  	vm8 =	vgt.s32 v62, $0x0  }
0x76: {  	v63 =	vld [tilespmem:$0x610];
	v0 =	vnsel vm8, $0x0, v62  }
0x77: {  	v0 =	vmin.u32 v0, $0x3E7;
	_ =	sdelay $0x3  }
0x78: {  	v4 =	vld [tilespmem:$0x620];
	vm9 =	vgt.s32 v63, $0x0  }
0x79: {  	v1 =	vnsel vm9, $0x0, v63;
	v0 =	vld.idx.msk [tilespmem:v0+s2+$0x0], $0xffff  }
0x7a: {  	v1 =	vmin.u32 v1, $0x3E7;
	_ =	sdelay $0x3  }
0x7b: {  	v6 =	vld [tilespmem:$0x630];
	vm10 =	vgt.s32 v4, $0x0;
	[tilespmem:$0xA00] =	vst v0  }
0x7c: {  	v5 =	vnsel vm10, $0x0, v4;
	v0 =	vld.idx.msk [tilespmem:v1+s2+$0x0], $0xffff  }
0x7d: {  	v1 =	vmin.u32 v5, $0x3E7;
	_ =	sdelay $0x3  }
0x7e: {  	v8 =	vld [tilespmem:$0x640];
	vm11 =	vgt.s32 v6, $0x0;
	[tilespmem:$0xA10] =	vst v0  }
0x7f: {  	v7 =	vnsel vm11, $0x0, v6;
	v0 =	vld.idx.msk [tilespmem:v1+s2+$0x0], $0xffff  }
0x80: {  	v1 =	vmin.u32 v7, $0x3E7;
	_ =	sdelay $0x3  }
0x81: {  	v10 =	vld [tilespmem:$0x650];
	vm12 =	vgt.s32 v8, $0x0;
	[tilespmem:$0xA20] =	vst v0  }
0x82: {  	v9 =	vnsel vm12, $0x0, v8;
	v0 =	vld.idx.msk [tilespmem:v1+s2+$0x0], $0xffff  }
0x83: {  	v1 =	vmin.u32 v9, $0x3E7;
	_ =	sdelay $0x3  }
0x84: {  	v12 =	vld [tilespmem:$0x660];
	vm13 =	vgt.s32 v10, $0x0;
	[tilespmem:$0xA30] =	vst v0  }
0x85: {  	v11 =	vnsel vm13, $0x0, v10;
	v0 =	vld.idx.msk [tilespmem:v1+s2+$0x0], $0xffff  }
0x86: {  	v1 =	vmin.u32 v11, $0x3E7;
	_ =	sdelay $0x3  }
0x87: {  	v14 =	vld [tilespmem:$0x670];
	vm14 =	vgt.s32 v12, $0x0;
	[tilespmem:$0xA40] =	vst v0  }
0x88: {  	v13 =	vnsel vm14, $0x0, v12;
	v0 =	vld.idx.msk [tilespmem:v1+s2+$0x0], $0xffff  }
0x89: {  	v1 =	vmin.u32 v13, $0x3E7;
	_ =	sdelay $0x3  }
0x8a: {  	v16 =	vld [tilespmem:$0x680];
	vm15 =	vgt.s32 v14, $0x0;
	[tilespmem:$0xA50] =	vst v0  }
0x8b: {  	v15 =	vnsel vm15, $0x0, v14;
	v0 =	vld.idx.msk [tilespmem:v1+s2+$0x0], $0xffff  }
0x8c: {  	v1 =	vmin.u32 v15, $0x3E7;
	_ =	sdelay $0x3  }
0x8d: {  	v18 =	vld [tilespmem:$0x690];
	vm4 =	vgt.s32 v16, $0x0;
	[tilespmem:$0xA60] =	vst v0  }
0x8e: {  	v17 =	vnsel vm4, $0x0, v16;
	v0 =	vld.idx.msk [tilespmem:v1+s2+$0x0], $0xffff  }
0x8f: {  	v1 =	vmin.u32 v17, $0x3E7;
	_ =	sdelay $0x3  }
0x90: {  	v20 =	vld [tilespmem:$0x6A0];
	vm5 =	vgt.s32 v18, $0x0;
	[tilespmem:$0xA70] =	vst v0  }
0x91: {  	v19 =	vnsel vm5, $0x0, v18;
	v0 =	vld.idx.msk [tilespmem:v1+s2+$0x0], $0xffff  }
0x92: {  	v1 =	vmin.u32 v19, $0x3E7;
	_ =	sdelay $0x3  }
0x93: {  	v22 =	vld [tilespmem:$0x6B0];
	vm6 =	vgt.s32 v20, $0x0;
	[tilespmem:$0xA80] =	vst v0  }
0x94: {  	v21 =	vnsel vm6, $0x0, v20;
	v0 =	vld.idx.msk [tilespmem:v1+s2+$0x0], $0xffff  }
0x95: {  	v1 =	vmin.u32 v21, $0x3E7;
	_ =	sdelay $0x3  }
0x96: {  	v24 =	vld [tilespmem:$0x6C0];
	vm7 =	vgt.s32 v22, $0x0;
	[tilespmem:$0xA90] =	vst v0  }
0x97: {  	v23 =	vnsel vm7, $0x0, v22;
	v0 =	vld.idx.msk [tilespmem:v1+s2+$0x0], $0xffff  }
0x98: {  	v1 =	vmin.u32 v23, $0x3E7;
	_ =	sdelay $0x3  }
0x99: {  	v26 =	vld [tilespmem:$0x6D0];
	vm8 =	vgt.s32 v24, $0x0;
	[tilespmem:$0xAA0] =	vst v0  }
0x9a: {  	v25 =	vnsel vm8, $0x0, v24;
	v0 =	vld.idx.msk [tilespmem:v1+s2+$0x0], $0xffff  }
0x9b: {  	v1 =	vmin.u32 v25, $0x3E7;
	_ =	sdelay $0x3  }
0x9c: {  	v28 =	vld [tilespmem:$0x6E0];
	vm9 =	vgt.s32 v26, $0x0;
	[tilespmem:$0xAB0] =	vst v0  }
0x9d: {  	v27 =	vnsel vm9, $0x0, v26;
	v0 =	vld.idx.msk [tilespmem:v1+s2+$0x0], $0xffff  }
0x9e: {  	v1 =	vmin.u32 v27, $0x3E7;
	_ =	sdelay $0x3  }
0x9f: {  	v30 =	vld [tilespmem:$0x6F0];
	vm10 =	vgt.s32 v28, $0x0;
	[tilespmem:$0xAC0] =	vst v0  }
0xa0: {  	v29 =	vnsel vm10, $0x0, v28;
	v0 =	vld.idx.msk [tilespmem:v1+s2+$0x0], $0xffff  }
0xa1: {  	v1 =	vmin.u32 v29, $0x3E7;
	_ =	sdelay $0x3  }
0xa2: {  	v32 =	vld [tilespmem:$0x700];
	vm11 =	vgt.s32 v30, $0x0;
	[tilespmem:$0xAD0] =	vst v0  }
0xa3: {  	v31 =	vnsel vm11, $0x0, v30;
	v0 =	vld.idx.msk [tilespmem:v1+s2+$0x0], $0xffff  }
0xa4: {  	v1 =	vmin.u32 v31, $0x3E7;
	_ =	sdelay $0x3  }
0xa5: {  	v34 =	vld [tilespmem:$0x710];
	vm12 =	vgt.s32 v32, $0x0;
	[tilespmem:$0xAE0] =	vst v0  }
0xa6: {  	v33 =	vnsel vm12, $0x0, v32;
	v0 =	vld.idx.msk [tilespmem:v1+s2+$0x0], $0xffff  }
0xa7: {  	v1 =	vmin.u32 v33, $0x3E7;
	_ =	sdelay $0x3  }
0xa8: {  	v36 =	vld [tilespmem:$0x720];
	vm13 =	vgt.s32 v34, $0x0;
	[tilespmem:$0xAF0] =	vst v0  }
0xa9: {  	v35 =	vnsel vm13, $0x0, v34;
	v0 =	vld.idx.msk [tilespmem:v1+s2+$0x0], $0xffff  }
0xaa: {  	v1 =	vmin.u32 v35, $0x3E7;
	_ =	sdelay $0x3  }
0xab: {  	v38 =	vld [tilespmem:$0x730];
	vm14 =	vgt.s32 v36, $0x0;
	[tilespmem:$0xB00] =	vst v0  }
0xac: {  	v37 =	vnsel vm14, $0x0, v36;
	v0 =	vld.idx.msk [tilespmem:v1+s2+$0x0], $0xffff  }
0xad: {  	v1 =	vmin.u32 v37, $0x3E7;
	_ =	sdelay $0x3  }
0xae: {  	v40 =	vld [tilespmem:$0x740];
	vm15 =	vgt.s32 v38, $0x0;
	[tilespmem:$0xB10] =	vst v0  }
0xaf: {  	v39 =	vnsel vm15, $0x0, v38;
	v0 =	vld.idx.msk [tilespmem:v1+s2+$0x0], $0xffff  }
0xb0: {  	v1 =	vmin.u32 v39, $0x3E7;
	_ =	sdelay $0x3  }
0xb1: {  	v42 =	vld [tilespmem:$0x750];
	vm4 =	vgt.s32 v40, $0x0;
	[tilespmem:$0xB20] =	vst v0  }
0xb2: {  	v41 =	vnsel vm4, $0x0, v40;
	v0 =	vld.idx.msk [tilespmem:v1+s2+$0x0], $0xffff  }
0xb3: {  	v1 =	vmin.u32 v41, $0x3E7;
	_ =	sdelay $0x3  }
0xb4: {  	v44 =	vld [tilespmem:$0x760];
	vm5 =	vgt.s32 v42, $0x0;
	[tilespmem:$0xB30] =	vst v0  }
0xb5: {  	v43 =	vnsel vm5, $0x0, v42;
	v0 =	vld.idx.msk [tilespmem:v1+s2+$0x0], $0xffff  }
0xb6: {  	v1 =	vmin.u32 v43, $0x3E7;
	_ =	sdelay $0x3  }
0xb7: {  	v46 =	vld [tilespmem:$0x770];
	vm6 =	vgt.s32 v44, $0x0;
	[tilespmem:$0xB40] =	vst v0  }
0xb8: {  	v45 =	vnsel vm6, $0x0, v44;
	v0 =	vld.idx.msk [tilespmem:v1+s2+$0x0], $0xffff  }
0xb9: {  	v1 =	vmin.u32 v45, $0x3E7;
	_ =	sdelay $0x3  }
0xba: {  	v48 =	vld [tilespmem:$0x780];
	vm7 =	vgt.s32 v46, $0x0;
	[tilespmem:$0xB50] =	vst v0  }
0xbb: {  	v47 =	vnsel vm7, $0x0, v46;
	v0 =	vld.idx.msk [tilespmem:v1+s2+$0x0], $0xffff  }
0xbc: {  	v1 =	vmin.u32 v47, $0x3E7;
	_ =	sdelay $0x3  }
0xbd: {  	v50 =	vld [tilespmem:$0x790];
	vm8 =	vgt.s32 v48, $0x0;
	[tilespmem:$0xB60] =	vst v0  }
0xbe: {  	v49 =	vnsel vm8, $0x0, v48;
	v0 =	vld.idx.msk [tilespmem:v1+s2+$0x0], $0xffff  }
0xbf: {  	v1 =	vmin.u32 v49, $0x3E7;
	_ =	sdelay $0x3  }
0xc0: {  	v52 =	vld [tilespmem:$0x7A0];
	vm9 =	vgt.s32 v50, $0x0;
	[tilespmem:$0xB70] =	vst v0  }
0xc1: {  	v51 =	vnsel vm9, $0x0, v50;
	v0 =	vld.idx.msk [tilespmem:v1+s2+$0x0], $0xffff  }
0xc2: {  	v1 =	vmin.u32 v51, $0x3E7;
	_ =	sdelay $0x3  }
0xc3: {  	v54 =	vld [tilespmem:$0x7B0];
	vm10 =	vgt.s32 v52, $0x0;
	[tilespmem:$0xB80] =	vst v0  }
0xc4: {  	v53 =	vnsel vm10, $0x0, v52;
	v0 =	vld.idx.msk [tilespmem:v1+s2+$0x0], $0xffff  }
0xc5: {  	v1 =	vmin.u32 v53, $0x3E7;
	_ =	sdelay $0x3  }
0xc6: {  	v56 =	vld [tilespmem:$0x7C0];
	vm11 =	vgt.s32 v54, $0x0;
	[tilespmem:$0xB90] =	vst v0  }
0xc7: {  	v55 =	vnsel vm11, $0x0, v54;
	v0 =	vld.idx.msk [tilespmem:v1+s2+$0x0], $0xffff  }
0xc8: {  	v1 =	vmin.u32 v55, $0x3E7;
	_ =	sdelay $0x3  }
0xc9: {  	v58 =	vld [tilespmem:$0x7D0];
	vm12 =	vgt.s32 v56, $0x0;
	[tilespmem:$0xBA0] =	vst v0  }
0xca: {  	v57 =	vnsel vm12, $0x0, v56;
	v0 =	vld.idx.msk [tilespmem:v1+s2+$0x0], $0xffff  }
0xcb: {  	v1 =	vmin.u32 v57, $0x3E7;
	_ =	sdelay $0x3  }
0xcc: {  	v60 =	vld [tilespmem:$0x7E0];
	vm13 =	vgt.s32 v58, $0x0;
	[tilespmem:$0xBB0] =	vst v0  }
0xcd: {  	v59 =	vnsel vm13, $0x0, v58;
	v0 =	vld.idx.msk [tilespmem:v1+s2+$0x0], $0xffff  }
0xce: {  	v1 =	vmin.u32 v59, $0x3E7;
	_ =	sdelay $0x3  }
0xcf: {  	v62 =	vld [tilespmem:$0x7F0];
	vm14 =	vgt.s32 v60, $0x0;
	[tilespmem:$0xBC0] =	vst v0  }
0xd0: {  	v61 =	vnsel vm14, $0x0, v60;
	v0 =	vld.idx.msk [tilespmem:v1+s2+$0x0], $0xffff  }
0xd1: {  	v1 =	vmin.u32 v61, $0x3E7;
	_ =	sdelay $0x3  }
0xd2: {  	vm15 =	vgt.s32 v62, $0x0;
	[tilespmem:$0xBD0] =	vst v0  }
0xd3: {  	v63 =	vnsel vm15, $0x0, v62;
	v1 =	vld.idx.msk [tilespmem:v1+s2+$0x0], $0xffff  }
0xd4: {  	v0 =	vmin.u32 v63, $0x3E7;
	_ =	sdelay $0x3  }
0xd5: {  	[tilespmem:$0xBE0] =	vst v1  }
0xd6: {  	v0 =	vld.idx.msk [tilespmem:v0+s2+$0x0], $0xffff;
	_ =	sdelay $0x4  }
0xd7: {  	s30 =	simm.s32 $0xA00;
	s31 =	simm.s32 $0x3;
	s3 =	sadd.s32 $0x40, s3;
	[tilespmem:$0xBF0] =	vst v0  }
0xd8: {  	[hbm4b:s3+s2] =	stream.linear.scatter [tilespmem:s30], [sflag:$0x3], $0x200, $0x38;
	[tilespmem:$0xC00] =	vst v63  }
0xd9: {  	_ =	swait.ge [sflag:s31], $0x200  }
0xda: {  	[sflag:s31] =	ssyncset.done $0x0  }
0xdb: {  	[sflag:s31] =	ssyncadd.s32 $0xFFFFFE00  }
0xdc: {  	_ =	swait.ge [sflag:s31], $0x200  }
0xdd: {  	[sflag:s31] =	ssyncset.done $0x0  }
0xde: {  	[sflag:s31] =	ssyncadd.s32 $0xFFFFFE00  }
0xdf: {  	_ =	sfence.sel $0x180000  }
0xe0: {  	[bflag:$0x0] =	sbarrier.arrive $0xFFFF  }
0xe1: {  	p0 =	sne.s32 s1, $0x0;
	_ =	strace $0x90000047  }
0xe2: {  	s0 =	sadd.s32 @!p0 $0x100000, s0;
	[bflag:$0x2] =	sbarrier.arrive $0xFFFF  }
0xe3: {  	[sflag:s0] =	ssyncadd.tile.s32 @!p0 $0x1;
	_ =	shalt  }
.Lfunc_end2:
_tile_overlayer_lowered:
.L_overlay_start_2:
0xe4: {  	(tag) =	ssettag $0x2  }
0xe5: {  	s0 =	rddreg [dreg:$0x0];
	s2 =	stileid.u32  }
0xe6: {  	s1 =	rddreg [dreg:$0x1];
	p0 =	sne.s32 s2, $0x0  }
0xe7: {  	s3 =	rddreg [dreg:$0x2];
	[bflag:$0x3] =	sbarrier.arrive $0xFFFF;
	s2 =	simm.s32 @!p0 $0x1C04  }
0xe8: {  	[timem:s3], [sflag:s2] =	dma.local @!p0 [hbm:s0], s1  }
0xe9: {  	s0 =	simm.s32 @!p0 $0x4  }
0xea: {  	_ =	swait.ge @!p0 [sflag:s0], s1  }
0xeb: {  	s1 =	ssub.s32 @!p0 $0x0, s1;
	[sflag:s0] =	ssyncset.done @!p0 $0x0  }
0xec: {  	[sflag:s0] =	ssyncadd.s32 @!p0 s1  }
0xed: {  	[bflag:$0x3] =	sbarrier.arrive $0xFFFF  }
0xee: {  	_ =	shalt  }

</sc_bundles>
